<compile_context>
chip_gen: v7x
topology: tpu7x:2x2x1
jax: 0.10.2.dev20260603
libtpu: 0.0.44.dev20260713+nightly
codegen_flags: <defaults>
</compile_context>

<pallas_src>
import functools

import jax
import jax.numpy as jnp
from jax import lax
from jax.experimental import pallas as pl
from jax.experimental.pallas import tpu as pltpu
from jax.experimental.pallas import tpu_sc as plsc

T = 2048
H = 1024
NH = 16
NKV = 4
HD = 64
E = 8
TOPK = 2
I = 512
L = 2
V = 32000
EPS = 1e-6
BASE = 1e6
SCALE = HD ** -0.5
G = NH // NKV
P = TOPK * T
BT = 256
BQ = 256
BM = 512
M = P // BM
W = M + E

_SC_CORES = 2
_SC_SUBCORES = 16
_NW = _SC_CORES * _SC_SUBCORES



@functools.partial(jax.jit, static_argnames=("chunk",))
def _sc_gather_rows(table, idx, chunk):
    b = idx.shape[0]
    d = table.shape[1]
    bpw = b // _NW
    nch = bpw // chunk
    mesh = plsc.VectorSubcoreMesh(core_axis_name="c", subcore_axis_name="s")

    @functools.partial(
        pl.kernel,
        mesh=mesh,
        out_type=jax.ShapeDtypeStruct((b, d), jnp.float32),
        scratch_types=[
            pltpu.VMEM((chunk,), jnp.int32),
            pltpu.VMEM((chunk, d), jnp.float32),
            pltpu.SemaphoreType.DMA,
        ],
    )
    def k(table_hbm, idx_hbm, out_hbm, idx_v, rows_v, sem):
        wid = lax.axis_index("s") * _SC_CORES + lax.axis_index("c")
        base = wid * bpw
        for c in range(nch):
            off = base + c * chunk
            pltpu.sync_copy(idx_hbm.at[pl.ds(off, chunk)], idx_v)
            pltpu.async_copy(table_hbm.at[idx_v], rows_v, sem).wait()
            pltpu.sync_copy(rows_v, out_hbm.at[pl.ds(off, chunk)])

    return k(table, idx)


def _gather_rows(table, idx):
    b = idx.shape[0]
    chunk = min(64, b // _NW)
    return _sc_gather_rows(table, idx, chunk)



def _rmsnorm(x, w):
    return x * w * lax.rsqrt(jnp.mean(x * x, axis=-1, keepdims=True) + EPS)


def _bf(x):
    return x.astype(jnp.bfloat16)



def _dot(a, b):
    return jnp.dot(_bf(a), _bf(b), preferred_element_type=jnp.float32)


def _matmul_body(x_ref, w_ref, o_ref):
    o_ref[...] = _dot(x_ref[...], w_ref[...])


def _matmul(x, w):
    n, kdim = x.shape
    od = w.shape[1]
    return pl.pallas_call(
        _matmul_body,
        grid=(n // BT,),
        in_specs=[
            pl.BlockSpec((BT, kdim), lambda i: (i, 0)),
            pl.BlockSpec((kdim, od), lambda i: (0, 0)),
        ],
        out_specs=pl.BlockSpec((BT, od), lambda i: (i, 0)),
        out_shape=jax.ShapeDtypeStruct((n, od), jnp.float32),
    )(x, w)


def _attention(qkv, cos, sin):
    q = qkv[:, :NH * HD].reshape(T, NH, HD)
    k = qkv[:, NH * HD:(NH + NKV) * HD].reshape(T, NKV, HD)
    v = qkv[:, (NH + NKV) * HD:].reshape(T, NKV, HD)
    c = cos[:, None, :]
    s = sin[:, None, :]

    def rope(x):
        x1, x2 = jnp.split(x, 2, axis=-1)
        return jnp.concatenate([x1 * c - x2 * s, x2 * c + x1 * s], axis=-1)

    q = rope(q)
    k = rope(k)
    k = jnp.repeat(k, G, axis=1)
    v = jnp.repeat(v, G, axis=1)
    scores = jnp.einsum('thd,shd->hts', _bf(q), _bf(k),
                        preferred_element_type=jnp.float32) * SCALE
    pos = jnp.arange(T, dtype=jnp.int32)
    causal = pos[:, None] >= pos[None, :]
    scores = jnp.where(causal[None, :, :], scores, jnp.float32(-1e30))
    probs = jax.nn.softmax(scores, axis=-1)
    o = jnp.einsum('hts,shd->thd', _bf(probs), _bf(v),
                   preferred_element_type=jnp.float32)
    return o.reshape(T, NH * HD)


def _oproj_body(resid_ref, a_ref, w_ref, out_ref):
    out_ref[...] = resid_ref[...] + _dot(a_ref[...], w_ref[...])


def _oproj(resid, attn, w):
    return pl.pallas_call(
        _oproj_body,
        grid=(T // BT,),
        in_specs=[
            pl.BlockSpec((BT, H), lambda i: (i, 0)),
            pl.BlockSpec((BT, NH * HD), lambda i: (i, 0)),
            pl.BlockSpec((NH * HD, H), lambda i: (0, 0)),
        ],
        out_specs=pl.BlockSpec((BT, H), lambda i: (i, 0)),
        out_shape=jax.ShapeDtypeStruct((T, H), jnp.float32),
    )(resid, attn, w)


def _gate_body(xn_ref, gw_ref, gb_ref, r_ref):
    logits = _dot(xn_ref[...], gw_ref[...]) + gb_ref[...]
    lane = lax.broadcasted_iota(jnp.int32, (BT, 128), 1)
    valid = lane < E
    l = jnp.where(valid, logits, -1e30)
    m1 = jnp.max(l, axis=1, keepdims=True)
    i1 = jnp.min(jnp.where((l == m1) & valid, lane, 128), axis=1, keepdims=True)
    l2 = jnp.where(lane == i1, -1e30, l)
    m2 = jnp.max(l2, axis=1, keepdims=True)
    i2 = jnp.min(jnp.where((l2 == m2) & valid, lane, 128), axis=1, keepdims=True)
    d = jnp.exp(m2 - m1)
    w1 = 1.0 / (1.0 + d)
    w2 = 1.0 - w1
    out = jnp.where(lane == 0, i1.astype(jnp.float32),
          jnp.where(lane == 1, i2.astype(jnp.float32),
          jnp.where(lane == 2, w1,
          jnp.where(lane == 3, w2, 0.0))))
    r_ref[...] = out


def _gate(xn, gwp, gbp):
    return pl.pallas_call(
        _gate_body,
        grid=(T // BT,),
        in_specs=[
            pl.BlockSpec((BT, H), lambda i: (i, 0)),
            pl.BlockSpec((H, 128), lambda i: (0, 0)),
            pl.BlockSpec((1, 128), lambda i: (0, 0)),
        ],
        out_specs=pl.BlockSpec((BT, 128), lambda i: (i, 0)),
        out_shape=jax.ShapeDtypeStruct((T, 128), jnp.float32),
    )(xn, gwp, gbp)


def _gmm_body(meta_ref, x_ref, gu_ref, dn_ref, out_ref):
    i = pl.program_id(0)
    bid = meta_ref[0, i]
    first = meta_ref[2, i]
    rs = meta_ref[3, i]
    re = meta_ref[4, i]
    rows = bid * BM + lax.broadcasted_iota(jnp.int32, (BM, 1), 0)
    rowmask = (rows >= rs) & (rows < re)
    x = jnp.where(rowmask, x_ref[...], 0.0)
    guo = _dot(x, gu_ref[0])
    g = guo[:, :I]
    u = guo[:, I:]
    act = jax.nn.silu(g) * u
    y = _dot(act, dn_ref[0])
    y = jnp.where(rowmask, y, 0.0)

    @pl.when(first == 1)
    def _():
        out_ref[...] = y

    @pl.when(first == 0)
    def _():
        out_ref[...] += y


def _gmm(meta, x_sorted, gu, dn):
    grid_spec = pltpu.PrefetchScalarGridSpec(
        num_scalar_prefetch=1,
        grid=(W,),
        in_specs=[
            pl.BlockSpec((BM, H), lambda i, m: (m[0, i], 0)),
            pl.BlockSpec((1, H, 2 * I), lambda i, m: (m[1, i], 0, 0)),
            pl.BlockSpec((1, I, H), lambda i, m: (m[1, i], 0, 0)),
        ],
        out_specs=pl.BlockSpec((BM, H), lambda i, m: (m[0, i], 0)),
    )
    return pl.pallas_call(
        _gmm_body,
        grid_spec=grid_spec,
        out_shape=jax.ShapeDtypeStruct((P, H), jnp.float32),
    )(meta, x_sorted, gu, dn)


def _combine_body(resid_ref, yg_ref, wp_ref, out_ref):
    w0 = wp_ref[:, 0:1]
    w1 = wp_ref[:, 1:2]
    out_ref[...] = resid_ref[...] + (w0 * yg_ref[:, 0, :] + w1 * yg_ref[:, 1, :])


def _combine(resid, yg, wpair):
    return pl.pallas_call(
        _combine_body,
        grid=(T // BT,),
        in_specs=[
            pl.BlockSpec((BT, H), lambda i: (i, 0)),
            pl.BlockSpec((BT, 2, H), lambda i: (i, 0, 0)),
            pl.BlockSpec((BT, 2), lambda i: (i, 0)),
        ],
        out_specs=pl.BlockSpec((BT, H), lambda i: (i, 0)),
        out_shape=jax.ShapeDtypeStruct((T, H), jnp.float32),
    )(resid, yg, wpair)



def _route_meta(ef):
    counts = jnp.zeros((E,), jnp.int32).at[ef].add(1)
    offsets = jnp.concatenate(
        [jnp.zeros((1,), jnp.int32), jnp.cumsum(counts).astype(jnp.int32)])
    starts = offsets[:-1]
    ends = offsets[1:]
    border = jnp.arange(M, dtype=jnp.int32) * BM
    active = ((starts[None, :] < border[:, None] + BM)
              & (ends[None, :] > border[:, None])
              & (ends[None, :] > starts[None, :]))
    e_io = jnp.arange(E, dtype=jnp.int32)
    first_e = jnp.min(jnp.where(active, e_io[None, :], 99), axis=1)
    firstmat = active & (e_io[None, :] == first_e[:, None])
    order = jnp.arange(M * E, dtype=jnp.int32)
    key = jnp.where(active.reshape(-1), order, 10000 + order)
    skey = jnp.sort(key)[:W]
    is_real = skey < 10000
    cand = jnp.where(is_real, skey, skey - 10000)
    b = cand // E
    e = cand % E
    bid = jnp.where(is_real, b, M - 1)
    eid = jnp.where(is_real, e, 0)
    first = jnp.where(is_real, firstmat.reshape(-1)[cand], False)
    rs = jnp.where(is_real, starts[e], 0)
    re = jnp.where(is_real, ends[e], 0)
    return jnp.stack([bid, eid, first.astype(jnp.int32), rs, re]).astype(jnp.int32)



def kernel(input_ids, positions, embed, qkv_w, o_w, ln1_w, ln2_w, gate_w,
           gate_b, exp_gu, exp_down, final_norm_w):
    inv_freq = 1.0 / (BASE ** (jnp.arange(0, HD, 2, dtype=jnp.float32) / HD))
    freqs = positions.astype(jnp.float32)[:, None] * inv_freq[None, :]
    cos = jnp.cos(freqs)
    sin = jnp.sin(freqs)
    gwp = jnp.pad(gate_w, ((0, 0), (0, 0), (0, 128 - E)))
    gbp = jnp.pad(gate_b, ((0, 0), (0, 128 - E))).reshape(L, 1, 128)

    resid = jnp.take(embed, input_ids, axis=0)
    for l in range(L):
        xn = _rmsnorm(resid, ln1_w[l])
        qkv = _matmul(xn, qkv_w[l])
        attn = _attention(qkv, cos, sin)
        resid = _oproj(resid, attn, o_w[l])
        y = _rmsnorm(resid, ln2_w[l])
        router = _gate(y, gwp[l], gbp[l])

        top_i = router[:, :2].astype(jnp.int32)
        ws = router[:, 2:4]
        swap = top_i[:, 0] > top_i[:, 1]
        top_i_s = jnp.where(swap[:, None], top_i[:, ::-1], top_i)
        ws_s = jnp.where(swap[:, None], ws[:, ::-1], ws)

        ef = top_i_s.reshape(P)
        sort_idx = jnp.argsort(ef).astype(jnp.int32)
        tok_sorted = sort_idx // TOPK
        inv = jnp.zeros((P,), jnp.int32).at[sort_idx].set(
            jnp.arange(P, dtype=jnp.int32))
        meta = _route_meta(ef)

        x_sorted = _gather_rows(y, tok_sorted)
        ysc = _gmm(meta, x_sorted, exp_gu[l], exp_down[l])
        yg = _gather_rows(ysc, inv).reshape(T, TOPK, H)
        resid = _combine(resid, yg, ws_s)

    return _rmsnorm(resid, final_norm_w)

# --- scband reference (transcript-rebuilt; emitter-appended) ---
"""Pipeline reference for scband-qwen3-moe-for-causal-lm-53042846105765 (READ-ONLY COPY).

The authoritative reference and input builder live on the scoring server;
editing this copy changes nothing except your own understanding.
"""

import jax, jax.numpy as jnp
import numpy as np

T = 2048; H = 1024; NH = 16; NKV = 4; HD = 64; E = 8; TOPK = 2; I = 512; L = 2; V = 32000
EPS = 1e-6; BASE = 1e6; SCALE = HD ** -0.5


def setup_inputs(seed: int = 0) -> dict:
    key = jax.random.key(seed)
    ks = jax.random.split(key, 8)
    return {
        "input_ids": jax.random.randint(ks[0], (T,), 0, V, dtype=jnp.int32),
        "positions": jnp.arange(T, dtype=jnp.int32),
        "embed": 0.02 * jax.random.normal(ks[1], (V, H), dtype=jnp.float32),
        "qkv_w": 0.02 * jax.random.normal(ks[2], (L, H, NH * HD + 2 * NKV * HD), dtype=jnp.float32),
        "o_w": 0.02 * jax.random.normal(ks[3], (L, NH * HD, H), dtype=jnp.float32),
        "ln1_w": jnp.ones((L, H), dtype=jnp.float32),
        "ln2_w": jnp.ones((L, H), dtype=jnp.float32),
        "gate_w": 0.02 * jax.random.normal(ks[4], (L, H, E), dtype=jnp.float32),
        "gate_b": jnp.zeros((L, E), dtype=jnp.float32),
        "exp_gu": 0.02 * jax.random.normal(ks[5], (L, E, H, 2 * I), dtype=jnp.float32),
        "exp_down": 0.02 * jax.random.normal(ks[6], (L, E, I, H), dtype=jnp.float32),
        "final_norm_w": jnp.ones((H,), dtype=jnp.float32),
    }


def rms_norm(x, w):
    return x * w * jax.lax.rsqrt(jnp.mean(x * x, axis=-1, keepdims=True) + EPS)


def apply_rope(pos, x):
    # NeoX-style rotary embedding; x: [T, nheads, HD]
    inv_freq = 1.0 / (BASE ** (jnp.arange(0, HD, 2, dtype=jnp.float32) / HD))
    freqs = pos.astype(jnp.float32)[:, None] * inv_freq[None, :]  # [T, HD/2]
    cos = jnp.cos(freqs)[:, None, :]
    sin = jnp.sin(freqs)[:, None, :]
    x1, x2 = jnp.split(x, 2, axis=-1)
    return jnp.concatenate([x1 * cos - x2 * sin, x2 * cos + x1 * sin], axis=-1)


def attention(pos, x, qkv_w, o_w):
    qkv = x @ qkv_w
    q = qkv[:, : NH * HD].reshape(T, NH, HD)
    k = qkv[:, NH * HD: NH * HD + NKV * HD].reshape(T, NKV, HD)
    v = qkv[:, NH * HD + NKV * HD:].reshape(T, NKV, HD)
    q = apply_rope(pos, q)
    k = apply_rope(pos, k)
    k = jnp.repeat(k, NH // NKV, axis=1)
    v = jnp.repeat(v, NH // NKV, axis=1)
    scores = jnp.einsum('thd,shd->hts', q, k) * SCALE
    causal = pos[:, None] >= pos[None, :]
    scores = jnp.where(causal[None, :, :], scores, jnp.float32(-1e30))
    probs = jax.nn.softmax(scores, axis=-1)
    o = jnp.einsum('hts,shd->thd', probs, v).reshape(T, NH * HD)
    return o @ o_w


def sparse_moe(x, gw, gb, gu, dn):
    logits = x @ gw + gb
    probs = jax.nn.softmax(logits.astype(jnp.float32), axis=-1)
    top_v, top_i = jax.lax.top_k(probs, TOPK)
    top_v = top_v / jnp.sum(top_v, axis=-1, keepdims=True)  # norm_topk_prob
    # combine weights per expert: [T, E]
    w = jnp.zeros((T, E), dtype=probs.dtype)
    for kk in range(TOPK):
        w = w + jax.nn.one_hot(top_i[:, kk], E, dtype=probs.dtype) * top_v[:, kk:kk + 1]
    gu_out = jnp.einsum('th,ehi->tei', x, gu)
    g, u = jnp.split(gu_out, 2, axis=-1)
    act = jax.nn.silu(g) * u  # SiluAndMul
    eo = jnp.einsum('tei,eih->teh', act, dn)
    return jnp.einsum('te,teh->th', w, eo)


def reference(input_ids, positions, embed, qkv_w, o_w, ln1_w, ln2_w, gate_w, gate_b, exp_gu, exp_down, final_norm_w):
    h = jnp.take(embed, input_ids, axis=0)
    residual = None
    for l in range(L):
        if residual is None:
            residual = h
            h = rms_norm(h, ln1_w[l])
        else:
            residual = residual + h
            h = rms_norm(residual, ln1_w[l])
        h = attention(positions, h, qkv_w[l], o_w[l])
        residual = residual + h
        h = rms_norm(residual, ln2_w[l])
        h = sparse_moe(h, gate_w[l], gate_b[l], exp_gu[l], exp_down[l])
    residual = residual + h
    return rms_norm(residual, final_norm_w)

if __name__ == "__main__":
    import jax
    _d = setup_inputs()
    print(jax.jit(kernel)(*tuple(_d.values())))

</pallas_src>

<mosaic_0001>
#map = affine_map<(d0, d1) -> (0, 0)>
#map1 = affine_map<(d0, d1) -> (0)>
module attributes {stable_mosaic.version = 14 : i64} {
  func.func @k(%arg0: i32, %arg1: i32, %arg2: memref<2048x1024xf32, #tpu.memory_space<hbm>>, %arg3: memref<4096xi32, #tpu.memory_space<hbm>>, %arg4: memref<4096x1024xf32, #tpu.memory_space<hbm>>, %arg5: memref<64xi32, #tpu.memory_space<vmem>>, %arg6: memref<64x1024xf32, #tpu.memory_space<vmem>>, %arg7: memref<!tpu.dma_semaphore, #tpu.memory_space<semaphore_mem>>) attributes {dimension_semantics = [#tpu.dimension_semantics<core_parallel>, #tpu.dimension_semantics<subcore_parallel>], iteration_bounds = array<i64: 2, 16>, scalar_prefetch = 0 : i64, scratch_operands = 3 : i64, tpu.core_type = #tpu.core_type<sc_vector_subcore>, window_params = [{transform_indices = #map}, {transform_indices = #map1}, {transform_indices = #map}]} {
    %mul3A = arith.constant 2 : i32
    %mul3A_0 = arith.muli %arg1, %mul3A : i32
    %add3A = arith.addi %mul3A_0, %arg0 : i32
    %mul3A_1 = arith.constant 128 : i32
    %mul3A_2 = arith.muli %add3A, %mul3A_1 : i32
    %add3A_3 = arith.constant 0 : i32
    %add3A_4 = arith.addi %mul3A_2, %add3A_3 : i32
    "tpu.region"() ({
      %run_scoped3A = tpu.sem_alloc : memref<!tpu.dma_semaphore, #tpu.memory_space<semaphore_mem>>
      %dma_start3A_17 = tpu.memref_slice %arg3[%add3A_4] : memref<4096xi32, #tpu.memory_space<hbm>> -> memref<64xi32, #tpu.memory_space<hbm>>
      %dma_start3A_18 = tpu.memref_slice %arg3[%add3A_4] : memref<4096xi32, #tpu.memory_space<hbm>> -> memref<64xi32, #tpu.memory_space<hbm>>
      tpu.enqueue_dma source(%dma_start3A_18 : memref<64xi32, #tpu.memory_space<hbm>>) target(%arg5 : memref<64xi32, #tpu.memory_space<vmem>>) target_semaphore(%run_scoped3A : memref<!tpu.dma_semaphore, #tpu.memory_space<semaphore_mem>>)
      %dma_wait3A_19 = tpu.memref_slice %arg3[%add3A_4] : memref<4096xi32, #tpu.memory_space<hbm>> -> memref<64xi32, #tpu.memory_space<hbm>>
      %dma_wait3A_20 = tpu.memref_slice %arg3[%add3A_4] : memref<4096xi32, #tpu.memory_space<hbm>> -> memref<64xi32, #tpu.memory_space<hbm>>
      tpu.wait_dma2 semaphore(%run_scoped3A : memref<!tpu.dma_semaphore, #tpu.memory_space<semaphore_mem>>) src(%dma_wait3A_20 : memref<64xi32, #tpu.memory_space<hbm>>) dst(%arg5 : memref<64xi32, #tpu.memory_space<vmem>>)
      tpu.yield
    }) : () -> ()
    %dma_start3A = arith.constant 0 : i32
    %dma_start3A_5 = arith.constant 0 : i32
    %dma_start3A_6 = tpu.memref_slice %arg2[%dma_start3A, %dma_start3A_5] : memref<2048x1024xf32, #tpu.memory_space<hbm>> -> memref<2048x1024xf32, #tpu.memory_space<hbm>>
    tpu.enqueue_indirect_dma source(%dma_start3A_6 : memref<2048x1024xf32, #tpu.memory_space<hbm>>) target(%arg6 : memref<64x1024xf32, #tpu.memory_space<vmem>>) offsets(%arg5 : memref<64xi32, #tpu.memory_space<vmem>>) semaphore(%arg7 : memref<!tpu.dma_semaphore, #tpu.memory_space<semaphore_mem>>)
    %dma_wait3A = arith.constant 0 : i32
    %dma_wait3A_7 = arith.constant 0 : i32
    %dma_wait3A_8 = tpu.memref_slice %arg2[%dma_wait3A, %dma_wait3A_7] : memref<2048x1024xf32, #tpu.memory_space<hbm>> -> memref<2048x1024xf32, #tpu.memory_space<hbm>>
    tpu.wait_indirect_dma semaphore(%arg7 : memref<!tpu.dma_semaphore, #tpu.memory_space<semaphore_mem>>) src(%dma_wait3A_8 : memref<2048x1024xf32, #tpu.memory_space<hbm>>) dst(%arg6 : memref<64x1024xf32, #tpu.memory_space<vmem>>)
    "tpu.region"() ({
      %run_scoped3A = tpu.sem_alloc : memref<!tpu.dma_semaphore, #tpu.memory_space<semaphore_mem>>
      %dma_start3A_17 = arith.constant 0 : i32
      %dma_start3A_18 = tpu.memref_slice %arg4[%add3A_4, %dma_start3A_17] : memref<4096x1024xf32, #tpu.memory_space<hbm>> -> memref<64x1024xf32, #tpu.memory_space<hbm>>
      %dma_start3A_19 = arith.constant 0 : i32
      %dma_start3A_20 = tpu.memref_slice %arg4[%add3A_4, %dma_start3A_19] : memref<4096x1024xf32, #tpu.memory_space<hbm>> -> memref<64x1024xf32, #tpu.memory_space<hbm>>
      tpu.enqueue_dma source(%arg6 : memref<64x1024xf32, #tpu.memory_space<vmem>>) target(%dma_start3A_20 : memref<64x1024xf32, #tpu.memory_space<hbm>>) target_semaphore(%run_scoped3A : memref<!tpu.dma_semaphore, #tpu.memory_space<semaphore_mem>>)
      %dma_wait3A_21 = arith.constant 0 : i32
      %dma_wait3A_22 = tpu.memref_slice %arg4[%add3A_4, %dma_wait3A_21] : memref<4096x1024xf32, #tpu.memory_space<hbm>> -> memref<64x1024xf32, #tpu.memory_space<hbm>>
      %dma_wait3A_23 = arith.constant 0 : i32
      %dma_wait3A_24 = tpu.memref_slice %arg4[%add3A_4, %dma_wait3A_23] : memref<4096x1024xf32, #tpu.memory_space<hbm>> -> memref<64x1024xf32, #tpu.memory_space<hbm>>
      tpu.wait_dma2 semaphore(%run_scoped3A : memref<!tpu.dma_semaphore, #tpu.memory_space<semaphore_mem>>) src(%arg6 : memref<64x1024xf32, #tpu.memory_space<vmem>>) dst(%dma_wait3A_24 : memref<64x1024xf32, #tpu.memory_space<hbm>>)
      tpu.yield
    }) : () -> ()
    %add3A_9 = arith.constant 64 : i32
    %add3A_10 = arith.addi %mul3A_2, %add3A_9 : i32
    "tpu.region"() ({
      %run_scoped3A = tpu.sem_alloc : memref<!tpu.dma_semaphore, #tpu.memory_space<semaphore_mem>>
      %dma_start3A_17 = tpu.memref_slice %arg3[%add3A_10] : memref<4096xi32, #tpu.memory_space<hbm>> -> memref<64xi32, #tpu.memory_space<hbm>>
      %dma_start3A_18 = tpu.memref_slice %arg3[%add3A_10] : memref<4096xi32, #tpu.memory_space<hbm>> -> memref<64xi32, #tpu.memory_space<hbm>>
      tpu.enqueue_dma source(%dma_start3A_18 : memref<64xi32, #tpu.memory_space<hbm>>) target(%arg5 : memref<64xi32, #tpu.memory_space<vmem>>) target_semaphore(%run_scoped3A : memref<!tpu.dma_semaphore, #tpu.memory_space<semaphore_mem>>)
      %dma_wait3A_19 = tpu.memref_slice %arg3[%add3A_10] : memref<4096xi32, #tpu.memory_space<hbm>> -> memref<64xi32, #tpu.memory_space<hbm>>
      %dma_wait3A_20 = tpu.memref_slice %arg3[%add3A_10] : memref<4096xi32, #tpu.memory_space<hbm>> -> memref<64xi32, #tpu.memory_space<hbm>>
      tpu.wait_dma2 semaphore(%run_scoped3A : memref<!tpu.dma_semaphore, #tpu.memory_space<semaphore_mem>>) src(%dma_wait3A_20 : memref<64xi32, #tpu.memory_space<hbm>>) dst(%arg5 : memref<64xi32, #tpu.memory_space<vmem>>)
      tpu.yield
    }) : () -> ()
    %dma_start3A_11 = arith.constant 0 : i32
    %dma_start3A_12 = arith.constant 0 : i32
    %dma_start3A_13 = tpu.memref_slice %arg2[%dma_start3A_11, %dma_start3A_12] : memref<2048x1024xf32, #tpu.memory_space<hbm>> -> memref<2048x1024xf32, #tpu.memory_space<hbm>>
    tpu.enqueue_indirect_dma source(%dma_start3A_13 : memref<2048x1024xf32, #tpu.memory_space<hbm>>) target(%arg6 : memref<64x1024xf32, #tpu.memory_space<vmem>>) offsets(%arg5 : memref<64xi32, #tpu.memory_space<vmem>>) semaphore(%arg7 : memref<!tpu.dma_semaphore, #tpu.memory_space<semaphore_mem>>)
    %dma_wait3A_14 = arith.constant 0 : i32
    %dma_wait3A_15 = arith.constant 0 : i32
    %dma_wait3A_16 = tpu.memref_slice %arg2[%dma_wait3A_14, %dma_wait3A_15] : memref<2048x1024xf32, #tpu.memory_space<hbm>> -> memref<2048x1024xf32, #tpu.memory_space<hbm>>
    tpu.wait_indirect_dma semaphore(%arg7 : memref<!tpu.dma_semaphore, #tpu.memory_space<semaphore_mem>>) src(%dma_wait3A_16 : memref<2048x1024xf32, #tpu.memory_space<hbm>>) dst(%arg6 : memref<64x1024xf32, #tpu.memory_space<vmem>>)
    "tpu.region"() ({
      %run_scoped3A = tpu.sem_alloc : memref<!tpu.dma_semaphore, #tpu.memory_space<semaphore_mem>>
      %dma_start3A_17 = arith.constant 0 : i32
      %dma_start3A_18 = tpu.memref_slice %arg4[%add3A_10, %dma_start3A_17] : memref<4096x1024xf32, #tpu.memory_space<hbm>> -> memref<64x1024xf32, #tpu.memory_space<hbm>>
      %dma_start3A_19 = arith.constant 0 : i32
      %dma_start3A_20 = tpu.memref_slice %arg4[%add3A_10, %dma_start3A_19] : memref<4096x1024xf32, #tpu.memory_space<hbm>> -> memref<64x1024xf32, #tpu.memory_space<hbm>>
      tpu.enqueue_dma source(%arg6 : memref<64x1024xf32, #tpu.memory_space<vmem>>) target(%dma_start3A_20 : memref<64x1024xf32, #tpu.memory_space<hbm>>) target_semaphore(%run_scoped3A : memref<!tpu.dma_semaphore, #tpu.memory_space<semaphore_mem>>)
      %dma_wait3A_21 = arith.constant 0 : i32
      %dma_wait3A_22 = tpu.memref_slice %arg4[%add3A_10, %dma_wait3A_21] : memref<4096x1024xf32, #tpu.memory_space<hbm>> -> memref<64x1024xf32, #tpu.memory_space<hbm>>
      %dma_wait3A_23 = arith.constant 0 : i32
      %dma_wait3A_24 = tpu.memref_slice %arg4[%add3A_10, %dma_wait3A_23] : memref<4096x1024xf32, #tpu.memory_space<hbm>> -> memref<64x1024xf32, #tpu.memory_space<hbm>>
      tpu.wait_dma2 semaphore(%run_scoped3A : memref<!tpu.dma_semaphore, #tpu.memory_space<semaphore_mem>>) src(%arg6 : memref<64x1024xf32, #tpu.memory_space<vmem>>) dst(%dma_wait3A_24 : memref<64x1024xf32, #tpu.memory_space<hbm>>)
      tpu.yield
    }) : () -> ()
    return
  }
}

</mosaic_0001>

<sc_bundles>
// kernel: _sc_gather_rows.3.cloned.1.call-start
scs
__scs_entry_jumppad:
0x0: {  	(pc) =	sbr.rel $0x88, $3  }
0x1: {  	(tag) =	ssettag $0x0;
	lr =	simm.s32 $0x1  }
0x2: {  	[smem:$0x3F9F] =	sst lr;
	_ =	strace $0xD0000000  }
0x3: {  	_ = 	snop  }
0x4: {  	_ = 	snop  }
0x5: {  	_ = 	snop  }
0x6: {  	_ = 	snop  }
0x7: {  	_ = 	snop  }
__scs_overlays_trampoline_lowered:
0x8: {  	[smem:$0x3FAE] =	sst s0  }
0x9: {  	[smem:$0x3FAF] =	sst s1  }
0xa: {  	[smem:$0x3FB0] =	sst s2  }
0xb: {  	[smem:$0x3FB1] =	sst s3  }
0xc: {  	[smem:$0x3FB2] =	sst s4  }
0xd: {  	[smem:$0x3FB3] =	sst s5  }
0xe: {  	[smem:$0x3FB4] =	sst s6  }
0xf: {  	[smem:$0x3FB5] =	sst s7  }
0x10: {  	[smem:$0x3FB6] =	sst s8  }
0x11: {  	[smem:$0x3FB7] =	sst s9;
	s0 =	simm.s32 @!p0 $0x0  }
0x12: {  	s1 =	sld [smem:$0x3F9D];
	s0 =	simm.s32 @p0 $0x1  }
0x13: {  	[smem:$0x3FB8] =	sst s0;
	s0 =	simm.s32 @!p1 $0x0  }
0x14: {  	s2 =	sld [smem:$0x3F9C];
	s0 =	simm.s32 @p1 $0x1  }
0x15: {  	[smem:$0x3FB9] =	sst s0;
	s0 =	simm.s32 @!p2 $0x0  }
0x16: {  	s3 =	sld [smem:$0x3FDB];
	s0 =	simm.s32 @p2 $0x1  }
0x17: {  	s4 =	simm.s32 $0x1BF5;
	[smem:$0x3FBB] =	sst s0  }
0x18: {  	s0 =	sld [smem:$0x3F9E];
	_ =	swait.ge [sflag:s4], $0x0  }
0x19: {  	s7 =	sld [smem:$0x3F9F]  }
0x1a: {  	s8 =	sadd.s32 $0xFFFFE003, lr  }
0x1b: {  	s9 =	sadd.s32 $0xFFFFFEF7, lr;
	s5 =	simm.s32 $0xFFFFFFFF;
	p2 =	slt.u32 s8, $0xFFFFF086  }
0x1c: {  	p1 =	slt.u32 s9, $0xF7A;
	s5 =	simm.s32 @!p2 $0x0  }
0x1d: {  	s5 =	simm.s32 @p1 $0x1;
	p0 =	seq.s32 s7, s2  }
0x1e: {  	s7 =	smul.u32 @!p0 $0xF7A, s2;
	p2 =	seq.s32 @!p0 s5, $0x0  }
0x1f: {  	s9 =	smul.u32 $0xF7A, s1;
	s8 =	simm.s32 @!p0 $0x1BF5;
	p2 =	por !p2, p0  }
0x20: {  	[sflag:s8] =	ssyncset.s32 @!p0 $0xFFFFF086;
	s6 =	sadd.s32 @!p0 s3, s7;
	s7 =	simm.s32 @!p0 $0x108  }
0x21: {  	s3 =	sadd.s32 s3, s9;
	s6 =	sadd.s32 @!p0 $0x88, s6;
	s7 =	simm.s32 @p2 $0x1082  }
0x22: {  	[simem:s7], [sflag:s8] =	dma.local @!p0 [hbm:s6], $0xF7A  }
0x23: {  	s9 =	sor.u32 $0xD0000000, s2;
	s6 =	simm.s32 $0x108;
	_ =	swait.ge @!p0 [sflag:s8], $0x0  }
0x24: {  	s3 =	sadd.s32 $0x88, s3;
	s6 =	simm.s32 @!p1 $0x1082;
	[sflag:s4] =	ssyncset.s32 $0xFFFFF086  }
0x25: {  	[simem:s6], [sflag:s4] =	dma.local [hbm:s3], $0xF7A  }
0x26: {  	[smem:$0x3F9F] =	sst s1;
	(tag) =	ssettag s2;
	_ =	strace s9  }
0x27: {  	s1 =	sld [smem:$0x3FAF]  }
0x28: {  	s2 =	sld [smem:$0x3FB0]  }
0x29: {  	s4 =	sld [smem:$0x3FB2]  }
0x2a: {  	p0 =	seq.s32 s5, $0x0;
	s5 =	sld [smem:$0x3FB3]  }
0x2b: {  	s6 =	sld [smem:$0x3FB4]  }
0x2c: {  	s7 =	sld [smem:$0x3FB5]  }
0x2d: {  	s3 =	simm.s32 $0x108;
	s8 =	sld [smem:$0x3FB6]  }
0x2e: {  	s3 =	simm.s32 @!p0 $0x1082;
	s9 =	sld [smem:$0x3FB7]  }
0x2f: {  	lr =	sadd.s32 s0, s3;
	s0 =	sld [smem:$0x3FAE]  }
0x30: {  	s3 =	sld [smem:$0x3FB1]  }
0x31: {  	[smem:$0x3FBA] =	sst s10  }
0x32: {  	s10 =	sld [smem:$0x3FB8];
	_ =	sdelay $0x3  }
0x33: {  	p0 =	seq.s32 s10, $0x1;
	s10 =	sld [smem:$0x3FBA];
	_ =	sdelay $0x3  }
0x34: {  	[smem:$0x3FBA] =	sst s10  }
0x35: {  	s10 =	sld [smem:$0x3FB9];
	_ =	sdelay $0x3  }
0x36: {  	p1 =	seq.s32 s10, $0x1;
	s10 =	sld [smem:$0x3FBA];
	_ =	sdelay $0x3  }
0x37: {  	[smem:$0x3FBA] =	sst s10  }
0x38: {  	s10 =	sld [smem:$0x3FBB]  }
0x39: {  	_ = 	snop;
	(pc) =	sbr.ind lr, $3  }
0x3a: {  	_ = 	snop  }
0x3b: {  	_ = 	snop  }
0x3c: {  	p2 =	seq.s32 s10, $0x1;
	s10 =	sld [smem:$0x3FBA]  }
0x3d: {  	_ =	shalt  }
0x3e: {  	_ =	shalt  }
0x3f: {  	_ =	shalt  }
0x40: {  	_ =	shalt  }
0x41: {  	_ =	shalt  }
0x42: {  	_ =	shalt  }
0x43: {  	_ =	shalt  }
0x44: {  	_ =	shalt  }
0x45: {  	_ =	shalt  }
0x46: {  	_ =	shalt  }
0x47: {  	_ =	shalt  }
0x48: {  	_ =	shalt  }
0x49: {  	_ =	shalt  }
0x4a: {  	_ =	shalt  }
0x4b: {  	_ =	shalt  }
0x4c: {  	_ =	shalt  }
0x4d: {  	_ =	shalt  }
0x4e: {  	_ =	shalt  }
0x4f: {  	_ =	shalt  }
0x50: {  	_ =	shalt  }
0x51: {  	_ =	shalt  }
0x52: {  	_ =	shalt  }
0x53: {  	_ =	shalt  }
0x54: {  	_ =	shalt  }
0x55: {  	_ =	shalt  }
0x56: {  	_ =	shalt  }
0x57: {  	_ =	shalt  }
0x58: {  	_ =	shalt  }
0x59: {  	_ =	shalt  }
0x5a: {  	_ =	shalt  }
0x5b: {  	_ =	shalt  }
0x5c: {  	_ =	shalt  }
0x5d: {  	_ =	shalt  }
0x5e: {  	_ =	shalt  }
0x5f: {  	_ =	shalt  }
0x60: {  	_ =	shalt  }
0x61: {  	_ =	shalt  }
0x62: {  	_ =	shalt  }
0x63: {  	_ =	shalt  }
0x64: {  	_ =	shalt  }
0x65: {  	_ =	shalt  }
0x66: {  	_ =	shalt  }
0x67: {  	_ =	shalt  }
0x68: {  	_ =	shalt  }
0x69: {  	_ =	shalt  }
0x6a: {  	_ =	shalt  }
0x6b: {  	_ =	shalt  }
0x6c: {  	_ =	shalt  }
0x6d: {  	_ =	shalt  }
0x6e: {  	_ =	shalt  }
0x6f: {  	_ =	shalt  }
0x70: {  	_ =	shalt  }
0x71: {  	_ =	shalt  }
0x72: {  	_ =	shalt  }
0x73: {  	_ =	shalt  }
0x74: {  	_ =	shalt  }
0x75: {  	_ =	shalt  }
0x76: {  	_ =	shalt  }
0x77: {  	_ =	shalt  }
0x78: {  	_ =	shalt  }
0x79: {  	_ =	shalt  }
0x7a: {  	_ =	shalt  }
0x7b: {  	_ =	shalt  }
0x7c: {  	_ =	shalt  }
0x7d: {  	_ =	shalt  }
0x7e: {  	_ =	shalt  }
0x7f: {  	_ =	shalt  }
0x80: {  	_ =	shalt  }
0x81: {  	_ =	shalt  }
0x82: {  	_ =	shalt  }
0x83: {  	_ =	shalt  }
0x84: {  	_ =	shalt  }
0x85: {  	_ =	shalt  }
0x86: {  	_ =	shalt  }
0x87: {  	_ =	shalt  }
.Lfunc_end0:
.L_simem_size_0:
called_computation_lowered:
.L_overlay_start_0:
0x88: {  	s2 =	sld [smem:$0x3FD9]  }
0x89: {  	s3 =	sld [smem:$0x3FFE];
	_ =	sdelay $0x1  }
0x8a: {  	s1 =	srdreg.scid  }
0x8b: {  	s0 =	sand.u32 $0x1, s1  }
0x8c: {  	s18 =	sshll.u32 s0, $0xA;
	s2 =	sadd.s32 s3, s2  }
0x8d: {  	s2 =	sadd.s32 s2, s18  }
0x8e: {  	[smem:$0x3FC6] =	sst s2  }
0x8f: {  	_ = 	snop  }
0x90: {  	s2 =	sld [smem:$0x3FC9]  }
0x91: {  	s19 =	sld [smem:$0x3FC8]  }
0x92: {  	s4 =	sld [smem:$0x3FD0];
	(tm) =	ssettm $0x1  }
0x93: {  	s5 =	sld [smem:$0x3FFB];
	_ =	sdelay $0x3  }
0x94: {  	_ =	strace s5  }
0x95: {  	s5 =	sld [smem:$0x3FFC];
	_ =	sdelay $0x3  }
0x96: {  	_ =	strace s5  }
0x97: {  	s5 =	sld [smem:$0x3FFD];
	_ =	sdelay $0x3  }
0x98: {  	_ =	strace s5  }
0x99: {  	_ =	strace $0x8FFFFFFF  }
0x9a: {  	s20 =	sld [smem:$0x3FDB];
	_ =	sdelay $0x1  }
0x9b: {  	s6 =	simm.s32 $_scs_section_size  }
0x9c: {  	s7 =	simm.s32 $_size__tile_overlayer_lowered;
	s8 =	simm.s32 $_tile_overlayer_lowered  }
0x9d: {  	s23 =	simm.s32 $0x1BFF;
	s22 =	sshll.u32 s8, $0x1;
	s5 =	sadd.s32 s6, s20  }
0x9e: {  	s9 =	simm.s32 $0x0;
	s21 =	sshll.u32 s7, $0x1;
	s7 =	sadd.s32 s22, s5  }
0x9f: {  	[timem:s9], [sflag:s23] =	dma.local [hbm:s7], s21  }
0xa0: {  	_ =	swait.ge [sflag:s23], s21  }
0xa1: {  	s6 =	ssub.s32 $0x0, s21;
	[sflag:s23] =	ssyncset.done $0x0  }
0xa2: {  	[sflag:s23] =	ssyncadd.s32 s6;
	_ =	sdelay $0x1  }
0xa3: {  	s24 =	simm.s32 $0x1B8B  }
0xa4: {  	_ =	swait.ge [sflag:s24], $0x1  }
0xa5: {  	[sflag:s24] =	ssyncset.done $0x0  }
0xa6: {  	s25 =	simm.s32 $0x1B8E;
	[sflag:s24] =	ssyncadd.s32 $0xFFFFFFFF  }
0xa7: {  	s26 =	simm.s32 $execute0_lowered;
	[smem:$0x3FD2] =	sst s25  }
0xa8: {  	s6 =	sshll.u32 s26, $0x1;
	_ =	strace $0x80000046;
	[dreg:$0x1] =	wrdreg $0xFFFFFFFF  }
0xa9: {  	s28 =	simm.s32 $_size_execute0_lowered;
	s5 =	sadd.s32 s5, s6;
	[dreg:$0x0] =	wrdreg $0x0  }
0xaa: {  	s6 =	sshll.u32 s28, $0x1;
	[dreg:$0x2] =	wrdreg s5  }
0xab: {  	[dreg:$0x3] =	wrdreg s6  }
0xac: {  	[dreg:$0x4] =	wrdreg $0xC0  }
0xad: {  	_ =	task [dreg:s9], $0x5FFFF  }
0xae: {  	[dreg:$0x1] =	wrdreg $0xFFFFFFFF  }
0xaf: {  	[dreg:$0x0] =	wrdreg $0x60  }
0xb0: {  	[dreg:$0x2] =	wrdreg s2  }
0xb1: {  	[dreg:$0x3] =	wrdreg s19  }
0xb2: {  	[dreg:$0x4] =	wrdreg s4  }
0xb3: {  	[dreg:$0x5] =	wrdreg $0x9  }
0xb4: {  	_ =	task.clear_ibuf [dreg:s9], $0x6FFFF;
	_ =	strace $0x90000046  }
0xb5: {  	s29 =	simm.s32 $0x9;
	_ =	strace $0x80000048  }
0xb6: {  	_ =	swait.ge [sflag:s29], $0x1  }
0xb7: {  	[sflag:s29] =	ssyncadd.s32 $0xFFFFFFFF  }
0xb8: {  	_ =	strace $0x90000048  }
0xb9: {  	_ =	sfence  }
0xba: {  	s30 =	sld [smem:$0x0];
	_ =	sdelay $0x2  }
0xbb: {  	s31 =	sshll.u32 s1, $0xD;
	s1 =	sshrl.u32 s1, $0x2  }
0xbc: {  	s3 =	sand.u32 $0x4000, s31;
	s1 =	sadd.s32 s1, s30  }
0xbd: {  	s0 =	sor.u32 s3, s0;
	s1 =	sshll.u32 s1, $0x11  }
0xbe: {  	s0 =	sor.u32 s1, s0  }
0xbf: {  	s0 =	sadd.s32 $0x8F2B, s0  }
0xc0: {  	[sflag:s0] =	ssyncadd.remote.s32 $0x1  }
0xc1: {  	_ =	sfence.sel $0xFFFF  }
0xc2: {  	[dreg:$0x0] =	wrdreg $0xFFFFFFFF;
	(pc) =	sbr.abs _section_cstart, $3  }
0xc3: {  	[dreg:$0x1] =	wrdreg $0xFFFFFFFF  }
0xc4: {  	_ =	task.clear_ibuf [dreg:s9], $0x2FFFF;
	_ =	strace $0x9FFFFFFF  }
0xc5: {  	(tm) =	ssettm $0x7FFFFFFF  }
tec
execute0_lowered:
.L_overlay_start_1:
0x0: {  	(tag) =	ssettag $0x1  }
0x1: {  	s1 =	rddreg [dreg:$0x0]  }
0x2: {  	s0 =	srdreg.scid;
	s2 =	rddreg [dreg:$0x1]  }
0x3: {  	s3 =	stileid.u32;
	s7 =	rddreg [dreg:$0x2];
	s18 =	simm.s32 $0x1  }
0x4: {  	s20 =	simm.s32 $0x880;
	s21 =	simm.s32 $0x1080;
	s22 =	simm.s32 $0x1880  }
0x5: {  	s23 =	simm.s32 $0x2080;
	s24 =	simm.s32 $0x2880;
	s28 =	simm.s32 $0x4080  }
0x6: {  	s29 =	simm.s32 $0x4880;
	s30 =	simm.s32 $0x5080;
	s31 =	simm.s32 $0x5880  }
0x7: {  	s10 =	simm.s32 $0x7080;
	s11 =	simm.s32 $0x7880;
	s12 =	simm.s32 $0x8080  }
0x8: {  	s13 =	simm.s32 $0x8880;
	s14 =	simm.s32 $0x9080;
	s15 =	simm.s32 $0x9880  }
0x9: {  	s16 =	simm.s32 $0xA080;
	s17 =	simm.s32 $0xA880;
	s0 =	sand.u32 $0x1, s0  }
0xa: {  	s4 =	sshll.u32 s3, $0x8;
	s3 =	simm.s32 $0x0;
	s5 =	sshll.u32 s0, $0x7  }
0xb: {  	[smem:$0x7FF] =	sst s3;
	s0 =	ssub.s32 $0x2, s0;
	s5 =	sor.u32 s5, s4  }
0xc: {  	_ =	strace $0x80000047;
	s6 =	sshrl.u32 s0, $0x1;
	s4 =	sshrl.u32 s5, $0x3  }
0xd: {  	s0 =	ssub.s32 s0, s6;
	s25 =	sshll.u32 s5, $0x7;
	s8 =	sor.u32 $0x40, s5  }
0xe: {  	s5 =	sadd.s32 $0x200, s1;
	s4 =	sadd.s32 s2, s4;
	s6 =	sadd.s32 s7, s25  }
0xf: {  	s9 =	sshrl.u32 s8, $0x3;
	s8 =	sshll.u32 s8, $0x7;
	[dreg:$0x4] =	wrdreg s4  }
0x10: {  	s25 =	simm.s32 $0x3080;
	s4 =	sadd.s32 $0x100, s1;
	[dreg:$0x5] =	wrdreg s6  }
0x11: {  	v2 =	vlaneseq.u32;
	s2 =	sadd.s32 s2, s9;
	s6 =	sadd.s32 $0x300, s1;
	s26 =	sadd.s32 s7, s8  }
0x12: {  	vm0 =	vmmov $0xffff;
	v1 =	vshrl.u32 v2, $0x3;
	s7 =	smax.u32 s0, $0x1;
	s8 =	simm.s32 $0x2;
	[dreg:$0x6] =	wrdreg s2  }
0x13: {  	v0 =	vand.u32 $0x7, v2;
	v2 =	vor.u32 $0x8, v2;
	v1 =	vmul.u32 $0x8, v1;
	s0 =	simm.s32 $0x80;
	[dreg:$0x7] =	wrdreg s26;
	s26 =	simm.s32 $0x3880  }
.LBB2_1:
0x14: {  	s19 =	rddreg [dreg:$0x4]  }
0x15: {  	[tilespmem:s3], [sflag:$0x2] =	stream.linear.gather [hbm4b:s19+s3], $0x40, $0x38;
	[tilespmem:$0x10080] =	vst v63  }
0x16: {  	_ =	swait.ge [sflag:s8], $0x40  }
0x17: {  	[sflag:s8] =	ssyncset.done $0x0  }
0x18: {  	[sflag:s8] =	ssyncadd.s32 $0xFFFFFFC0  }
0x19: {  	v3 =	vld [tilespmem:$0x0];
	_ =	sdelay $0x4  }
0x1a: {  	v4 =	vshll.u32 v3, $0x3  }
0x1b: {  	v3 =	vand.u32 $0x7, v3;
	v4 =	vand.u32 $0xFFFFFFC0, v4  }
0x1c: {  	v3 =	vor.u32 v3, v4  }
0x1d: {  	v4 =	vperm.xlane v3, v0;
	_ =	sdelay $0x1  }
0x1e: {  	v4 =	vadd.s32 v1, v4;
	_ =	sdelay $0x4  }
0x1f: {  	[tilespmem:s0], [sflag:$0x1] =	stream.indirect_vreg.gather [hbm4b:s1+s3], $0x80, v4, vm0, $0xb8;
	[tilespmem:$0x10080] =	vst v63  }
0x20: {  	v3 =	vperm.xlane v3, v2  }
0x21: {  	[tilespmem:s20], [sflag:$0x1] =	stream.indirect_vreg.gather [hbm4b:s4+s3], $0x80, v4, vm0, $0xb8;
	[tilespmem:$0x10080] =	vst v63  }
0x22: {  	v3 =	vadd.s32 v1, v3  }
0x23: {  	[tilespmem:s21], [sflag:$0x1] =	stream.indirect_vreg.gather [hbm4b:s5+s3], $0x80, v4, vm0, $0xb8;
	[tilespmem:$0x10080] =	vst v63  }
0x24: {  	_ = 	snop  }
0x25: {  	[tilespmem:s22], [sflag:$0x1] =	stream.indirect_vreg.gather [hbm4b:s6+s3], $0x80, v4, vm0, $0xb8;
	[tilespmem:$0x10080] =	vst v63  }
0x26: {  	_ = 	snop  }
0x27: {  	[tilespmem:s23], [sflag:$0x1] =	stream.indirect_vreg.gather [hbm4b:s1+s3], $0x80, v3, vm0, $0xb8;
	[tilespmem:$0x10080] =	vst v63  }
0x28: {  	_ = 	snop  }
0x29: {  	[tilespmem:s24], [sflag:$0x1] =	stream.indirect_vreg.gather [hbm4b:s4+s3], $0x80, v3, vm0, $0xb8;
	[tilespmem:$0x10080] =	vst v63  }
0x2a: {  	_ = 	snop  }
0x2b: {  	[tilespmem:s25], [sflag:$0x1] =	stream.indirect_vreg.gather [hbm4b:s5+s3], $0x80, v3, vm0, $0xb8;
	[tilespmem:$0x10080] =	vst v63  }
0x2c: {  	_ = 	snop  }
0x2d: {  	[tilespmem:s26], [sflag:$0x1] =	stream.indirect_vreg.gather [hbm4b:s6+s3], $0x80, v3, vm0, $0xb8;
	[tilespmem:$0x10080] =	vst v63  }
0x2e: {  	v3 =	vld [tilespmem:$0x10];
	_ =	sdelay $0x4  }
0x2f: {  	v57 =	vshll.u32 v3, $0x3  }
0x30: {  	v3 =	vand.u32 $0x7, v3;
	v4 =	vand.u32 $0xFFFFFFC0, v57  }
0x31: {  	v3 =	vor.u32 v3, v4  }
0x32: {  	v4 =	vperm.xlane v3, v0;
	_ =	sdelay $0x1  }
0x33: {  	v4 =	vadd.s32 v1, v4;
	_ =	sdelay $0x4  }
0x34: {  	[tilespmem:s28], [sflag:$0x1] =	stream.indirect_vreg.gather [hbm4b:s1+s3], $0x80, v4, vm0, $0xb8;
	[tilespmem:$0x10080] =	vst v63  }
0x35: {  	v3 =	vperm.xlane v3, v2  }
0x36: {  	[tilespmem:s29], [sflag:$0x1] =	stream.indirect_vreg.gather [hbm4b:s4+s3], $0x80, v4, vm0, $0xb8;
	[tilespmem:$0x10080] =	vst v63  }
0x37: {  	v3 =	vadd.s32 v1, v3  }
0x38: {  	[tilespmem:s30], [sflag:$0x1] =	stream.indirect_vreg.gather [hbm4b:s5+s3], $0x80, v4, vm0, $0xb8;
	[tilespmem:$0x10080] =	vst v63  }
0x39: {  	_ = 	snop  }
0x3a: {  	[tilespmem:s31], [sflag:$0x1] =	stream.indirect_vreg.gather [hbm4b:s6+s3], $0x80, v4, vm0, $0xb8;
	[tilespmem:$0x10080] =	vst v63  }
0x3b: {  	s2 =	simm.s32 $0x6080  }
0x3c: {  	[tilespmem:s2], [sflag:$0x1] =	stream.indirect_vreg.gather [hbm4b:s1+s3], $0x80, v3, vm0, $0xb8;
	[tilespmem:$0x10080] =	vst v63  }
0x3d: {  	s9 =	simm.s32 $0x6880  }
0x3e: {  	[tilespmem:s9], [sflag:$0x1] =	stream.indirect_vreg.gather [hbm4b:s4+s3], $0x80, v3, vm0, $0xb8;
	[tilespmem:$0x10080] =	vst v63  }
0x3f: {  	_ = 	snop  }
0x40: {  	[tilespmem:s10], [sflag:$0x1] =	stream.indirect_vreg.gather [hbm4b:s5+s3], $0x80, v3, vm0, $0xb8;
	[tilespmem:$0x10080] =	vst v63  }
0x41: {  	_ = 	snop  }
0x42: {  	[tilespmem:s11], [sflag:$0x1] =	stream.indirect_vreg.gather [hbm4b:s6+s3], $0x80, v3, vm0, $0xb8;
	[tilespmem:$0x10080] =	vst v63  }
0x43: {  	v3 =	vld [tilespmem:$0x20];
	_ =	sdelay $0x4  }
0x44: {  	v58 =	vshll.u32 v3, $0x3  }
0x45: {  	v3 =	vand.u32 $0x7, v3;
	v4 =	vand.u32 $0xFFFFFFC0, v58  }
0x46: {  	v3 =	vor.u32 v3, v4  }
0x47: {  	v4 =	vperm.xlane v3, v0;
	_ =	sdelay $0x1  }
0x48: {  	v4 =	vadd.s32 v1, v4;
	_ =	sdelay $0x4  }
0x49: {  	[tilespmem:s12], [sflag:$0x1] =	stream.indirect_vreg.gather [hbm4b:s1+s3], $0x80, v4, vm0, $0xb8;
	[tilespmem:$0x10080] =	vst v63  }
0x4a: {  	v3 =	vperm.xlane v3, v2  }
0x4b: {  	[tilespmem:s13], [sflag:$0x1] =	stream.indirect_vreg.gather [hbm4b:s4+s3], $0x80, v4, vm0, $0xb8;
	[tilespmem:$0x10080] =	vst v63  }
0x4c: {  	v3 =	vadd.s32 v1, v3  }
0x4d: {  	[tilespmem:s14], [sflag:$0x1] =	stream.indirect_vreg.gather [hbm4b:s5+s3], $0x80, v4, vm0, $0xb8;
	[tilespmem:$0x10080] =	vst v63  }
0x4e: {  	_ = 	snop  }
0x4f: {  	[tilespmem:s15], [sflag:$0x1] =	stream.indirect_vreg.gather [hbm4b:s6+s3], $0x80, v4, vm0, $0xb8;
	[tilespmem:$0x10080] =	vst v63  }
0x50: {  	_ = 	snop  }
0x51: {  	[tilespmem:s16], [sflag:$0x1] =	stream.indirect_vreg.gather [hbm4b:s1+s3], $0x80, v3, vm0, $0xb8;
	[tilespmem:$0x10080] =	vst v63  }
0x52: {  	_ = 	snop  }
0x53: {  	[tilespmem:s17], [sflag:$0x1] =	stream.indirect_vreg.gather [hbm4b:s4+s3], $0x80, v3, vm0, $0xb8;
	[tilespmem:$0x10080] =	vst v63  }
0x54: {  	s9 =	simm.s32 $0xB080  }
0x55: {  	[tilespmem:s9], [sflag:$0x1] =	stream.indirect_vreg.gather [hbm4b:s5+s3], $0x80, v3, vm0, $0xb8;
	[tilespmem:$0x10080] =	vst v63  }
0x56: {  	s19 =	simm.s32 $0xB880  }
0x57: {  	[tilespmem:s19], [sflag:$0x1] =	stream.indirect_vreg.gather [hbm4b:s6+s3], $0x80, v3, vm0, $0xb8;
	[tilespmem:$0x10080] =	vst v63  }
0x58: {  	v3 =	vld [tilespmem:$0x30];
	_ =	sdelay $0x4  }
0x59: {  	v59 =	vshll.u32 v3, $0x3  }
0x5a: {  	v3 =	vand.u32 $0x7, v3;
	v4 =	vand.u32 $0xFFFFFFC0, v59  }
0x5b: {  	v3 =	vor.u32 v3, v4  }
0x5c: {  	v4 =	vperm.xlane v3, v0;
	_ =	sdelay $0x1  }
0x5d: {  	v4 =	vadd.s32 v1, v4;
	_ =	sdelay $0x3  }
0x5e: {  	s19 =	simm.s32 $0xC080  }
0x5f: {  	[tilespmem:s19], [sflag:$0x1] =	stream.indirect_vreg.gather [hbm4b:s1+s3], $0x80, v4, vm0, $0xb8;
	[tilespmem:$0x10080] =	vst v63  }
0x60: {  	v3 =	vperm.xlane v3, v2;
	s19 =	simm.s32 $0xC880  }
0x61: {  	[tilespmem:s19], [sflag:$0x1] =	stream.indirect_vreg.gather [hbm4b:s4+s3], $0x80, v4, vm0, $0xb8;
	[tilespmem:$0x10080] =	vst v63  }
0x62: {  	v3 =	vadd.s32 v1, v3;
	s19 =	simm.s32 $0xD080  }
0x63: {  	[tilespmem:s19], [sflag:$0x1] =	stream.indirect_vreg.gather [hbm4b:s5+s3], $0x80, v4, vm0, $0xb8;
	[tilespmem:$0x10080] =	vst v63  }
0x64: {  	s19 =	simm.s32 $0xD880  }
0x65: {  	[tilespmem:s19], [sflag:$0x1] =	stream.indirect_vreg.gather [hbm4b:s6+s3], $0x80, v4, vm0, $0xb8;
	[tilespmem:$0x10080] =	vst v63  }
0x66: {  	s19 =	simm.s32 $0xE080  }
0x67: {  	[tilespmem:s19], [sflag:$0x1] =	stream.indirect_vreg.gather [hbm4b:s1+s3], $0x80, v3, vm0, $0xb8;
	[tilespmem:$0x10080] =	vst v63  }
0x68: {  	s19 =	simm.s32 $0xE880  }
0x69: {  	[tilespmem:s19], [sflag:$0x1] =	stream.indirect_vreg.gather [hbm4b:s4+s3], $0x80, v3, vm0, $0xb8;
	[tilespmem:$0x10080] =	vst v63  }
0x6a: {  	s19 =	simm.s32 $0xF080  }
0x6b: {  	[tilespmem:s19], [sflag:$0x1] =	stream.indirect_vreg.gather [hbm4b:s5+s3], $0x80, v3, vm0, $0xb8;
	[tilespmem:$0x10080] =	vst v63  }
0x6c: {  	s19 =	simm.s32 $0xF880  }
0x6d: {  	[tilespmem:s19], [sflag:$0x1] =	stream.indirect_vreg.gather [hbm4b:s6+s3], $0x80, v3, vm0, $0xb8;
	[tilespmem:$0x10080] =	vst v63  }
0x6e: {  	_ =	swait.ge [sflag:s18], $0x10000  }
0x6f: {  	[sflag:s18] =	ssyncset.done $0x0  }
0x70: {  	s19 =	rddreg [dreg:$0x5];
	[sflag:s18] =	ssyncadd.s32 $0xFFFF0000  }
0x71: {  	[hbm4b:s19+s3] =	stream.linear.scatter [tilespmem:s0], [sflag:$0x2], $0x10000, $0x38;
	[tilespmem:$0x10080] =	vst v63  }
0x72: {  	_ =	swait.ge [sflag:s8], $0x10000  }
0x73: {  	[sflag:s8] =	ssyncset.done $0x0  }
0x74: {  	s19 =	rddreg [dreg:$0x6];
	[sflag:s8] =	ssyncadd.s32 $0xFFFF0000  }
0x75: {  	[tilespmem:s3], [sflag:$0x2] =	stream.linear.gather [hbm4b:s19+s3], $0x40, $0x38;
	[tilespmem:$0x10080] =	vst v63  }
0x76: {  	_ =	swait.ge [sflag:s8], $0x40  }
0x77: {  	[sflag:s8] =	ssyncset.done $0x0  }
0x78: {  	[sflag:s8] =	ssyncadd.s32 $0xFFFFFFC0  }
0x79: {  	v3 =	vld [tilespmem:$0x0];
	_ =	sdelay $0x4  }
0x7a: {  	v60 =	vshll.u32 v3, $0x3  }
0x7b: {  	v3 =	vand.u32 $0x7, v3;
	v4 =	vand.u32 $0xFFFFFFC0, v60  }
0x7c: {  	v3 =	vor.u32 v3, v4  }
0x7d: {  	v4 =	vperm.xlane v3, v0;
	_ =	sdelay $0x1  }
0x7e: {  	v4 =	vadd.s32 v1, v4;
	_ =	sdelay $0x4  }
0x7f: {  	[tilespmem:s0], [sflag:$0x1] =	stream.indirect_vreg.gather [hbm4b:s1+s3], $0x80, v4, vm0, $0xb8;
	[tilespmem:$0x10080] =	vst v63  }
0x80: {  	v3 =	vperm.xlane v3, v2  }
0x81: {  	[tilespmem:s20], [sflag:$0x1] =	stream.indirect_vreg.gather [hbm4b:s4+s3], $0x80, v4, vm0, $0xb8;
	[tilespmem:$0x10080] =	vst v63  }
0x82: {  	v3 =	vadd.s32 v1, v3  }
0x83: {  	[tilespmem:s21], [sflag:$0x1] =	stream.indirect_vreg.gather [hbm4b:s5+s3], $0x80, v4, vm0, $0xb8;
	[tilespmem:$0x10080] =	vst v63  }
0x84: {  	_ = 	snop  }
0x85: {  	[tilespmem:s22], [sflag:$0x1] =	stream.indirect_vreg.gather [hbm4b:s6+s3], $0x80, v4, vm0, $0xb8;
	[tilespmem:$0x10080] =	vst v63  }
0x86: {  	_ = 	snop  }
0x87: {  	[tilespmem:s23], [sflag:$0x1] =	stream.indirect_vreg.gather [hbm4b:s1+s3], $0x80, v3, vm0, $0xb8;
	[tilespmem:$0x10080] =	vst v63  }
0x88: {  	_ = 	snop  }
0x89: {  	[tilespmem:s24], [sflag:$0x1] =	stream.indirect_vreg.gather [hbm4b:s4+s3], $0x80, v3, vm0, $0xb8;
	[tilespmem:$0x10080] =	vst v63  }
0x8a: {  	_ = 	snop  }
0x8b: {  	[tilespmem:s25], [sflag:$0x1] =	stream.indirect_vreg.gather [hbm4b:s5+s3], $0x80, v3, vm0, $0xb8;
	[tilespmem:$0x10080] =	vst v63  }
0x8c: {  	_ = 	snop  }
0x8d: {  	[tilespmem:s26], [sflag:$0x1] =	stream.indirect_vreg.gather [hbm4b:s6+s3], $0x80, v3, vm0, $0xb8;
	[tilespmem:$0x10080] =	vst v63  }
0x8e: {  	v3 =	vld [tilespmem:$0x10];
	_ =	sdelay $0x4  }
0x8f: {  	v61 =	vshll.u32 v3, $0x3  }
0x90: {  	v3 =	vand.u32 $0x7, v3;
	v4 =	vand.u32 $0xFFFFFFC0, v61  }
0x91: {  	v3 =	vor.u32 v3, v4  }
0x92: {  	v4 =	vperm.xlane v3, v0;
	_ =	sdelay $0x1  }
0x93: {  	v4 =	vadd.s32 v1, v4;
	_ =	sdelay $0x4  }
0x94: {  	[tilespmem:s28], [sflag:$0x1] =	stream.indirect_vreg.gather [hbm4b:s1+s3], $0x80, v4, vm0, $0xb8;
	[tilespmem:$0x10080] =	vst v63  }
0x95: {  	v3 =	vperm.xlane v3, v2  }
0x96: {  	[tilespmem:s29], [sflag:$0x1] =	stream.indirect_vreg.gather [hbm4b:s4+s3], $0x80, v4, vm0, $0xb8;
	[tilespmem:$0x10080] =	vst v63  }
0x97: {  	v3 =	vadd.s32 v1, v3  }
0x98: {  	[tilespmem:s30], [sflag:$0x1] =	stream.indirect_vreg.gather [hbm4b:s5+s3], $0x80, v4, vm0, $0xb8;
	[tilespmem:$0x10080] =	vst v63  }
0x99: {  	_ = 	snop  }
0x9a: {  	[tilespmem:s31], [sflag:$0x1] =	stream.indirect_vreg.gather [hbm4b:s6+s3], $0x80, v4, vm0, $0xb8;
	[tilespmem:$0x10080] =	vst v63  }
0x9b: {  	_ = 	snop  }
0x9c: {  	[tilespmem:s2], [sflag:$0x1] =	stream.indirect_vreg.gather [hbm4b:s1+s3], $0x80, v3, vm0, $0xb8;
	[tilespmem:$0x10080] =	vst v63  }
0x9d: {  	s19 =	simm.s32 $0x6880  }
0x9e: {  	[tilespmem:s19], [sflag:$0x1] =	stream.indirect_vreg.gather [hbm4b:s4+s3], $0x80, v3, vm0, $0xb8;
	[tilespmem:$0x10080] =	vst v63  }
0x9f: {  	_ = 	snop  }
0xa0: {  	[tilespmem:s10], [sflag:$0x1] =	stream.indirect_vreg.gather [hbm4b:s5+s3], $0x80, v3, vm0, $0xb8;
	[tilespmem:$0x10080] =	vst v63  }
0xa1: {  	_ = 	snop  }
0xa2: {  	[tilespmem:s11], [sflag:$0x1] =	stream.indirect_vreg.gather [hbm4b:s6+s3], $0x80, v3, vm0, $0xb8;
	[tilespmem:$0x10080] =	vst v63  }
0xa3: {  	v3 =	vld [tilespmem:$0x20];
	_ =	sdelay $0x4  }
0xa4: {  	v62 =	vshll.u32 v3, $0x3  }
0xa5: {  	v3 =	vand.u32 $0x7, v3;
	v4 =	vand.u32 $0xFFFFFFC0, v62  }
0xa6: {  	v3 =	vor.u32 v3, v4  }
0xa7: {  	v4 =	vperm.xlane v3, v0;
	_ =	sdelay $0x1  }
0xa8: {  	v4 =	vadd.s32 v1, v4;
	_ =	sdelay $0x4  }
0xa9: {  	[tilespmem:s12], [sflag:$0x1] =	stream.indirect_vreg.gather [hbm4b:s1+s3], $0x80, v4, vm0, $0xb8;
	[tilespmem:$0x10080] =	vst v63  }
0xaa: {  	v3 =	vperm.xlane v3, v2  }
0xab: {  	[tilespmem:s13], [sflag:$0x1] =	stream.indirect_vreg.gather [hbm4b:s4+s3], $0x80, v4, vm0, $0xb8;
	[tilespmem:$0x10080] =	vst v63  }
0xac: {  	v3 =	vadd.s32 v1, v3  }
0xad: {  	[tilespmem:s14], [sflag:$0x1] =	stream.indirect_vreg.gather [hbm4b:s5+s3], $0x80, v4, vm0, $0xb8;
	[tilespmem:$0x10080] =	vst v63  }
0xae: {  	_ = 	snop  }
0xaf: {  	[tilespmem:s15], [sflag:$0x1] =	stream.indirect_vreg.gather [hbm4b:s6+s3], $0x80, v4, vm0, $0xb8;
	[tilespmem:$0x10080] =	vst v63  }
0xb0: {  	_ = 	snop  }
0xb1: {  	[tilespmem:s16], [sflag:$0x1] =	stream.indirect_vreg.gather [hbm4b:s1+s3], $0x80, v3, vm0, $0xb8;
	[tilespmem:$0x10080] =	vst v63  }
0xb2: {  	_ = 	snop  }
0xb3: {  	[tilespmem:s17], [sflag:$0x1] =	stream.indirect_vreg.gather [hbm4b:s4+s3], $0x80, v3, vm0, $0xb8;
	[tilespmem:$0x10080] =	vst v63  }
0xb4: {  	_ = 	snop  }
0xb5: {  	[tilespmem:s9], [sflag:$0x1] =	stream.indirect_vreg.gather [hbm4b:s5+s3], $0x80, v3, vm0, $0xb8;
	[tilespmem:$0x10080] =	vst v63  }
0xb6: {  	s19 =	simm.s32 $0xB880  }
0xb7: {  	[tilespmem:s19], [sflag:$0x1] =	stream.indirect_vreg.gather [hbm4b:s6+s3], $0x80, v3, vm0, $0xb8;
	[tilespmem:$0x10080] =	vst v63  }
0xb8: {  	v3 =	vld [tilespmem:$0x30];
	_ =	sdelay $0x4  }
0xb9: {  	v63 =	vshll.u32 v3, $0x3  }
0xba: {  	v3 =	vand.u32 $0x7, v3;
	v4 =	vand.u32 $0xFFFFFFC0, v63  }
0xbb: {  	v3 =	vor.u32 v3, v4  }
0xbc: {  	v4 =	vperm.xlane v3, v0;
	_ =	sdelay $0x1  }
0xbd: {  	v4 =	vadd.s32 v1, v4;
	_ =	sdelay $0x3  }
0xbe: {  	s9 =	simm.s32 $0xC080  }
0xbf: {  	[tilespmem:s9], [sflag:$0x1] =	stream.indirect_vreg.gather [hbm4b:s1+s3], $0x80, v4, vm0, $0xb8;
	[tilespmem:$0x10080] =	vst v63  }
0xc0: {  	s19 =	simm.s32 $0xC880;
	v3 =	vperm.xlane v3, v2  }
0xc1: {  	[tilespmem:s19], [sflag:$0x1] =	stream.indirect_vreg.gather [hbm4b:s4+s3], $0x80, v4, vm0, $0xb8;
	[tilespmem:$0x10080] =	vst v63  }
0xc2: {  	v3 =	vadd.s32 v1, v3;
	s9 =	simm.s32 $0xD080  }
0xc3: {  	[tilespmem:s9], [sflag:$0x1] =	stream.indirect_vreg.gather [hbm4b:s5+s3], $0x80, v4, vm0, $0xb8;
	[tilespmem:$0x10080] =	vst v63  }
0xc4: {  	s19 =	simm.s32 $0xD880  }
0xc5: {  	[tilespmem:s19], [sflag:$0x1] =	stream.indirect_vreg.gather [hbm4b:s6+s3], $0x80, v4, vm0, $0xb8;
	[tilespmem:$0x10080] =	vst v63  }
0xc6: {  	s9 =	simm.s32 $0xE080  }
0xc7: {  	[tilespmem:s9], [sflag:$0x1] =	stream.indirect_vreg.gather [hbm4b:s1+s3], $0x80, v3, vm0, $0xb8;
	[tilespmem:$0x10080] =	vst v63  }
0xc8: {  	s19 =	simm.s32 $0xE880  }
0xc9: {  	[tilespmem:s19], [sflag:$0x1] =	stream.indirect_vreg.gather [hbm4b:s4+s3], $0x80, v3, vm0, $0xb8;
	[tilespmem:$0x10080] =	vst v63  }
0xca: {  	s9 =	simm.s32 $0xF080  }
0xcb: {  	[tilespmem:s9], [sflag:$0x1] =	stream.indirect_vreg.gather [hbm4b:s5+s3], $0x80, v3, vm0, $0xb8;
	[tilespmem:$0x10080] =	vst v63  }
0xcc: {  	s19 =	simm.s32 $0xF880  }
0xcd: {  	[tilespmem:s19], [sflag:$0x1] =	stream.indirect_vreg.gather [hbm4b:s6+s3], $0x80, v3, vm0, $0xb8;
	[tilespmem:$0x10080] =	vst v63  }
0xce: {  	_ =	swait.ge [sflag:s18], $0x10000  }
0xcf: {  	p0 =	sne.s32 s7, $0x1;
	[sflag:s18] =	ssyncset.done $0x0  }
.Ltmp0:
0xd0: {  	s9 =	rddreg [dreg:$0x7];
	[sflag:s18] =	ssyncadd.s32 $0xFFFF0000;
	(pc) =	sbr.rel @p0 .LBB2_1-.Ltmp0, $4  }
0xd1: {  	[hbm4b:s9+s3] =	stream.linear.scatter [tilespmem:s0], [sflag:$0x2], $0x10000, $0x38;
	[tilespmem:$0x10080] =	vst v63  }
0xd2: {  	_ =	swait.ge [sflag:s8], $0x10000  }
0xd3: {  	[sflag:s8] =	ssyncset.done $0x0  }
0xd4: {  	s7 =	sadd.s32 $0xFFFFFFFF, s7;
	[sflag:s8] =	ssyncadd.s32 $0xFFFF0000  }
0xd5: {  	_ =	sfence.sel $0x180000  }
0xd6: {  	[bflag:$0x0] =	sbarrier.arrive $0xFFFF  }
0xd7: {  	_ =	strace $0x90000047  }
0xd8: {  	s0 =	stileid.u32;
	[bflag:$0x2] =	sbarrier.arrive $0xFFFF  }
0xd9: {  	p0 =	sne.s32 s0, $0x0;
	s0 =	rddreg [dreg:$0x3]  }
0xda: {  	s0 =	sadd.s32 @!p0 $0x100000, s0  }
0xdb: {  	[sflag:s0] =	ssyncadd.tile.s32 @!p0 $0x1;
	_ =	shalt  }
.Lfunc_end2:
_tile_overlayer_lowered:
.L_overlay_start_2:
0xdc: {  	(tag) =	ssettag $0x2  }
0xdd: {  	s0 =	rddreg [dreg:$0x0];
	s2 =	stileid.u32  }
0xde: {  	s1 =	rddreg [dreg:$0x1];
	p0 =	sne.s32 s2, $0x0  }
0xdf: {  	s3 =	rddreg [dreg:$0x2];
	[bflag:$0x3] =	sbarrier.arrive $0xFFFF;
	s2 =	simm.s32 @!p0 $0x1C02  }
0xe0: {  	[timem:s3], [sflag:s2] =	dma.local @!p0 [hbm:s0], s1  }
0xe1: {  	s0 =	simm.s32 @!p0 $0x2  }
0xe2: {  	_ =	swait.ge @!p0 [sflag:s0], s1  }
0xe3: {  	s1 =	ssub.s32 @!p0 $0x0, s1;
	[sflag:s0] =	ssyncset.done @!p0 $0x0  }
0xe4: {  	[sflag:s0] =	ssyncadd.s32 @!p0 s1  }
0xe5: {  	[bflag:$0x3] =	sbarrier.arrive $0xFFFF  }
0xe6: {  	_ =	shalt  }

</sc_bundles>
